<compile_context>
chip_gen: v7x
topology: tpu7x:2x2x1
jax: 0.10.2.dev20260603
libtpu: 0.0.44.dev20260713+nightly
codegen_flags: <defaults>
</compile_context>

<pallas_src>
import jax
import jax.numpy as jnp
from jax.experimental import pallas as pl

B, H, W_, CIN, COUT = 1024, 28, 28, 1, 32
BT = 32
KDIM = 91
NOUT = H * COUT


def _conv_body(m_ref, x_ref, out_ref):
    xb = x_ref[...]
    xp = jnp.pad(xb, ((0, 0), (1, 1), (1, 1)))
    r = BT * H
    slabs = [xp[:, dy:dy + H, :].reshape(r, W_ + 2) for dy in range(3)]
    slabs.append(jnp.ones((r, 1), dtype=jnp.float32))
    xall = jnp.concatenate(slabs, axis=1).astype(jnp.bfloat16)
    res = jnp.dot(xall, m_ref[...], preferred_element_type=jnp.float32)
    acc = res[:, :NOUT]
    xrep = res[:, NOUT:]
    out = jnp.where(xrep != 0.0, acc, 0.0)
    out_ref[...] = out.reshape(r * 7, 128)


@jax.jit
def kernel(x, conv_w, conv_b):
    xsq = x.reshape(B, H, W_)

    sel = jnp.stack([jnp.eye(W_, W_ + 2, k=dx, dtype=jnp.float32)
                     for dx in range(3)])
    m = jnp.einsum("xwj,yxc->ywjc", sel, conv_w[:, :, 0, :])
    m = m.transpose(0, 2, 1, 3).reshape(3 * (W_ + 2), NOUT)
    bias_row = jnp.tile(conv_b, W_).reshape(1, NOUT)
    m = jnp.concatenate([m, bias_row], axis=0)
    e = jnp.repeat(sel[1], COUT, axis=0).T
    e = jnp.concatenate([jnp.zeros((30, NOUT)), e,
                         jnp.zeros((31, NOUT))], axis=0)
    mfull = jnp.concatenate([m, e], axis=1).astype(jnp.bfloat16)

    grid = B // BT
    out = pl.pallas_call(
        _conv_body,
        grid=(grid,),
        in_specs=[
            pl.BlockSpec((KDIM, 2 * NOUT), lambda i: (0, 0)),
            pl.BlockSpec((BT, H, W_), lambda i: (i, 0, 0)),
        ],
        out_specs=pl.BlockSpec((BT * H * 7, 128), lambda i: (i, 0)),
        out_shape=jax.ShapeDtypeStruct((B * H * 7, 128), jnp.float32),
    )(mfull, xsq)
    return out.reshape(B * H * W_, COUT)

# --- scband reference (transcript-rebuilt; emitter-appended) ---
"""Pipeline reference for scband-net-34729105555909 (READ-ONLY COPY).

The authoritative reference and input builder live on the scoring server;
editing this copy changes nothing except your own understanding.
"""

import jax, jax.numpy as jnp
import numpy as np

B, H, W_, CIN, COUT = 1024, 28, 28, 1, 32

def setup_inputs(seed: int = 0):
    key = jax.random.key(seed)
    k1, k2, k3 = jax.random.split(key, 3)
    x = jax.random.normal(k1, (B, H, W_, CIN), dtype=jnp.float32)
    # SubMConv2d(1, 32, 3, 1) weights, HWIO layout
    conv_w = jax.random.normal(k2, (3, 3, CIN, COUT), dtype=jnp.float32) * 0.1
    conv_b = jax.random.normal(k3, (COUT,), dtype=jnp.float32) * 0.1
    return {"x": x, "conv_w": conv_w, "conv_b": conv_b}

def reference(x, conv_w, conv_b):
    # SparseConvTensor.from_dense(x.reshape(-1, 28, 28, 1)): active sites = nonzero pixels.
    xd = x.reshape(-1, H, W_, CIN)
    # Submanifold conv: output computed only at active input sites, gathering only
    # from active neighbors. Since inactive sites hold exact zeros, a dense conv
    # evaluated at active locations gives identical values; we mask to the active set.
    y = jax.lax.conv_general_dilated(
        xd, conv_w, window_strides=(1, 1), padding="SAME",
        dimension_numbers=("NHWC", "HWIO", "NHWC"))
    y = y + conv_b
    active = jnp.any(xd != 0, axis=-1, keepdims=True).astype(y.dtype)
    y = y * active
    # x.features is [nnz, 32]; with randn input every site is active, so nnz = B*H*W.
    feats = y.reshape(-1, COUT)
    # torch.flatten(feats, 1) on a 2-D tensor is a no-op
    return feats

if __name__ == "__main__":
    import jax
    _d = setup_inputs()
    print(jax.jit(kernel)(*tuple(_d.values())))

</pallas_src>

<mosaic_0001>
module attributes {stable_mosaic.version = 14 : i64} {
  func.func @_conv_body(%arg0: i32, %arg1: memref<91x1792xbf16, #tpu.memory_space<vmem>>, %arg2: memref<32x28x28xf32, #tpu.memory_space<vmem>>, %arg3: memref<6272x128xf32, #tpu.memory_space<vmem>>) attributes {dimension_semantics = [#tpu.dimension_semantics<arbitrary>], iteration_bounds = array<i64: 32>, scalar_prefetch = 0 : i64, scratch_operands = 0 : i64, tpu.core_type = #tpu.core_type<tc>, window_params = [{pipeline_mode = #tpu.pipeline_mode<synchronous>, transform_indices = @transform_0, window_bounds = array<i64: 91, 1792>}, {transform_indices = @transform_1, window_bounds = array<i64: 32, 28, 28>}, {transform_indices = @transform_2, window_bounds = array<i64: 6272, 128>}]} {
    %get3A = arith.constant 0 : index
    %get3A_0 = arith.constant 0 : index
    %get3A_1 = arith.constant 0 : index
    %get3A_2 = vector.load %arg2[%get3A, %get3A_0, %get3A_1] : memref<32x28x28xf32, #tpu.memory_space<vmem>>, vector<32x28x28xf32>
    %jit3A = arith.constant 0 : i32
    %convert_element_type3A = arith.sitofp %jit3A : i32 to f32
    %pad3A = vector.broadcast %convert_element_type3A : f32 to vector<32x1x28xf32>
    %pad3A_3 = tpu.concatenate %pad3A, %get3A_2 in 1 : vector<32x1x28xf32>, vector<32x28x28xf32> -> vector<32x29x28xf32>
    %pad3A_4 = vector.broadcast %convert_element_type3A : f32 to vector<32x1x28xf32>
    %pad3A_5 = tpu.concatenate %pad3A_3, %pad3A_4 in 1 : vector<32x29x28xf32>, vector<32x1x28xf32> -> vector<32x30x28xf32>
    %pad3A_6 = vector.broadcast %convert_element_type3A : f32 to vector<32x30x1xf32>
    %pad3A_7 = tpu.concatenate %pad3A_6, %pad3A_5 in 2 : vector<32x30x1xf32>, vector<32x30x28xf32> -> vector<32x30x29xf32>
    %pad3A_8 = vector.broadcast %convert_element_type3A : f32 to vector<32x30x1xf32>
    %pad3A_9 = tpu.concatenate %pad3A_7, %pad3A_8 in 2 : vector<32x30x29xf32>, vector<32x30x1xf32> -> vector<32x30x30xf32>
    %slice3A = vector.extract_strided_slice %pad3A_9 {offsets = [0, 0, 0], sizes = [32, 28, 30], strides = [1, 1, 1]} : vector<32x30x30xf32> to vector<32x28x30xf32>
    %reshape3A = vector.shape_cast %slice3A : vector<32x28x30xf32> to vector<896x30xf32>
    %slice3A_10 = vector.extract_strided_slice %pad3A_9 {offsets = [0, 1, 0], sizes = [32, 28, 30], strides = [1, 1, 1]} : vector<32x30x30xf32> to vector<32x28x30xf32>
    %reshape3A_11 = vector.shape_cast %slice3A_10 : vector<32x28x30xf32> to vector<896x30xf32>
    %slice3A_12 = vector.extract_strided_slice %pad3A_9 {offsets = [0, 2, 0], sizes = [32, 28, 30], strides = [1, 1, 1]} : vector<32x30x30xf32> to vector<32x28x30xf32>
    %reshape3A_13 = vector.shape_cast %slice3A_12 : vector<32x28x30xf32> to vector<896x30xf32>
    %broadcast_in_dim3A = arith.constant 1.000000e+00 : f32
    %broadcast_in_dim3A_14 = vector.broadcast %broadcast_in_dim3A : f32 to vector<896x1xf32>
    %concatenate3A = tpu.concatenate %reshape3A, %reshape3A_11, %reshape3A_13, %broadcast_in_dim3A_14 in 1 : vector<896x30xf32>, vector<896x30xf32>, vector<896x30xf32>, vector<896x1xf32> -> vector<896x91xf32>
    %convert_element_type3A_15 = arith.truncf %concatenate3A : vector<896x91xf32> to vector<896x91xbf16>
    %get3A_16 = arith.constant 0 : index
    %get3A_17 = arith.constant 0 : index
    %get3A_18 = vector.load %arg1[%get3A_16, %get3A_17] : memref<91x1792xbf16, #tpu.memory_space<vmem>>, vector<91x1792xbf16>
    %dot_general3A = arith.constant dense<0.000000e+00> : vector<896x1792xf32>
    %dot_general3A_19 = tpu.matmul %convert_element_type3A_15, %get3A_18, %dot_general3A {dimension_numbers = #tpu.dot_dimension_numbers<[1], [0], [0], [1], [0, 0, 1, 1], [], []>, transpose_lhs_hint = false} : vector<896x91xbf16>, vector<91x1792xbf16>, vector<896x1792xf32> -> vector<896x1792xf32>
    %slice3A_20 = vector.extract_strided_slice %dot_general3A_19 {offsets = [0, 0], sizes = [896, 896], strides = [1, 1]} : vector<896x1792xf32> to vector<896x896xf32>
    %slice3A_21 = vector.extract_strided_slice %dot_general3A_19 {offsets = [0, 896], sizes = [896, 896], strides = [1, 1]} : vector<896x1792xf32> to vector<896x896xf32>
    %ne3A = arith.constant 0.000000e+00 : f32
    %ne3A_22 = vector.broadcast %ne3A : f32 to vector<896x896xf32>
    %ne3A_23 = arith.cmpf one, %slice3A_21, %ne3A_22 : vector<896x896xf32>
    %jit3A_24 = arith.constant 0.000000e+00 : f32
    %broadcast_in_dim3A_25 = vector.broadcast %jit3A_24 : f32 to vector<896x896xf32>
    %select_n3A = arith.select %ne3A_23, %slice3A_20, %broadcast_in_dim3A_25 : vector<896x896xi1>, vector<896x896xf32>
    %reshape3A_26 = vector.shape_cast %select_n3A : vector<896x896xf32> to vector<6272x128xf32>
    %swap3A = arith.constant 0 : index
    %swap3A_27 = arith.constant 0 : index
    %swap3A_28 = vector.load %arg3[%swap3A, %swap3A_27] : memref<6272x128xf32, #tpu.memory_space<vmem>>, vector<6272x128xf32>
    tpu.vector_store %arg3[%swap3A, %swap3A_27], %reshape3A_26 {strides = array<i32>} : memref<6272x128xf32, #tpu.memory_space<vmem>>, vector<6272x128xf32>,
    return
  }
  func.func @transform_0(%arg0: i32) -> (i32, i32) {
    %c0_i32 = arith.constant 0 : i32
    %c0_i32_0 = arith.constant 0 : i32
    %c0_i32_1 = arith.constant 0 : i32
    return %c0_i32, %c0_i32_0 : i32, i32
  }
  func.func @transform_1(%arg0: i32) -> (i32, i32, i32) {
    %c0_i32 = arith.constant 0 : i32
    %c0_i32_0 = arith.constant 0 : i32
    %c0_i32_1 = arith.constant 0 : i32
    return %arg0, %c0_i32, %c0_i32_0 : i32, i32, i32
  }
  func.func @transform_2(%arg0: i32) -> (i32, i32) {
    %c0_i32 = arith.constant 0 : i32
    %c0_i32_0 = arith.constant 0 : i32
    return %arg0, %c0_i32 : i32, i32
  }
}

</mosaic_0001>

<sc_bundles>
// kernel: sparse-core-data-format-call.cloned.1.call-start
scs
called_computation_lowered:
.L_overlay_start_0:
0x0: {  	s2 =	sld [smem:$0x3FD9]  }
0x1: {  	s3 =	sld [smem:$0x3FFE];
	_ =	sdelay $0x1  }
0x2: {  	s1 =	srdreg.scid  }
0x3: {  	s0 =	sand.u32 $0x1, s1  }
0x4: {  	s18 =	sshll.u32 s0, $0xA;
	s2 =	sadd.s32 s3, s2  }
0x5: {  	s2 =	sadd.s32 s2, s18  }
0x6: {  	[smem:$0x3FC5] =	sst s2  }
0x7: {  	_ = 	snop  }
0x8: {  	s2 =	sld [smem:$0x3FD0];
	(tm) =	ssettm $0x1  }
0x9: {  	s19 =	sld [smem:$0x3FFB];
	_ =	sdelay $0x3  }
0xa: {  	_ =	strace s19  }
0xb: {  	s3 =	sld [smem:$0x3FFC];
	_ =	sdelay $0x3  }
0xc: {  	_ =	strace s3  }
0xd: {  	s3 =	sld [smem:$0x3FFD];
	_ =	sdelay $0x3  }
0xe: {  	_ =	strace s3  }
0xf: {  	_ =	strace $0x8FFFFFFF  }
0x10: {  	s20 =	sld [smem:$0x3FDB];
	_ =	sdelay $0x1  }
0x11: {  	s4 =	simm.s32 $_scs_section_size  }
0x12: {  	s5 =	simm.s32 $_size__tile_overlayer_lowered;
	s6 =	simm.s32 $_tile_overlayer_lowered  }
0x13: {  	s23 =	simm.s32 $0x1BFF;
	s22 =	sshll.u32 s6, $0x1;
	s3 =	sadd.s32 s4, s20  }
0x14: {  	s7 =	simm.s32 $0x0;
	s21 =	sshll.u32 s5, $0x1;
	s5 =	sadd.s32 s22, s3  }
0x15: {  	[timem:s7], [sflag:s23] =	dma.local [hbm:s5], s21  }
0x16: {  	_ =	swait.ge [sflag:s23], s21  }
0x17: {  	s4 =	ssub.s32 $0x0, s21;
	[sflag:s23] =	ssyncset.done $0x0  }
0x18: {  	[sflag:s23] =	ssyncadd.s32 s4;
	_ =	sdelay $0x1  }
0x19: {  	s24 =	simm.s32 $0x1B8B  }
0x1a: {  	_ =	swait.ge [sflag:s24], $0x1  }
0x1b: {  	[sflag:s24] =	ssyncset.done $0x0  }
0x1c: {  	s26 =	simm.s32 $0x1B8E;
	s25 =	sld [smem:$0x3FFE];
	[sflag:s24] =	ssyncadd.s32 $0xFFFFFFFF  }
0x1d: {  	s27 =	simm.s32 $execute0_lowered;
	[smem:$0x3FD2] =	sst s26  }
0x1e: {  	s5 =	sshll.u32 s27, $0x1;
	_ =	strace $0x80000046;
	[dreg:$0x1] =	wrdreg $0xFFFFFFFF  }
0x1f: {  	s28 =	simm.s32 $_size_execute0_lowered;
	s3 =	sadd.s32 s3, s5;
	[dreg:$0x0] =	wrdreg $0x0  }
0x20: {  	s5 =	sshll.u32 s28, $0x1;
	[dreg:$0x2] =	wrdreg s3  }
0x21: {  	[dreg:$0x3] =	wrdreg s5  }
0x22: {  	[dreg:$0x4] =	wrdreg $0xC0  }
0x23: {  	_ =	task [dreg:s7], $0x5FFFF  }
0x24: {  	[dreg:$0x1] =	wrdreg $0xFFFFFFFF  }
0x25: {  	[dreg:$0x0] =	wrdreg $0x60  }
0x26: {  	[dreg:$0x2] =	wrdreg s25  }
0x27: {  	[dreg:$0x3] =	wrdreg s2  }
0x28: {  	[dreg:$0x4] =	wrdreg $0x9  }
0x29: {  	_ =	task.clear_ibuf [dreg:s7], $0x5FFFF;
	_ =	strace $0x90000046  }
0x2a: {  	s29 =	simm.s32 $0x9;
	_ =	strace $0x80000048  }
0x2b: {  	_ =	swait.ge [sflag:s29], $0x1  }
0x2c: {  	[sflag:s29] =	ssyncadd.s32 $0xFFFFFFFF  }
0x2d: {  	_ =	strace $0x90000048  }
0x2e: {  	_ =	sfence  }
0x2f: {  	s30 =	sld [smem:$0x0];
	_ =	sdelay $0x2  }
0x30: {  	s31 =	sshll.u32 s1, $0xD;
	s1 =	sshrl.u32 s1, $0x2  }
0x31: {  	s3 =	sand.u32 $0x4000, s31;
	s1 =	sadd.s32 s1, s30  }
0x32: {  	s0 =	sor.u32 s3, s0;
	s1 =	sshll.u32 s1, $0x11  }
0x33: {  	s0 =	sor.u32 s1, s0  }
0x34: {  	s0 =	sadd.s32 $0x8F2B, s0  }
0x35: {  	[sflag:s0] =	ssyncadd.remote.s32 $0x1  }
0x36: {  	_ =	sfence.sel $0xFFFF  }
0x37: {  	[dreg:$0x0] =	wrdreg $0xFFFFFFFF;
	(pc) =	sbr.abs _section_cstart, $3  }
0x38: {  	[dreg:$0x1] =	wrdreg $0xFFFFFFFF  }
0x39: {  	_ =	task.clear_ibuf [dreg:s7], $0x2FFFF;
	_ =	strace $0x9FFFFFFF  }
0x3a: {  	(tm) =	ssettm $0x7FFFFFFF  }
0x3b: {  	_ =	shalt  }
tec
execute0_lowered:
.L_overlay_start_1:
0x0: {  	(tag) =	ssettag $0x1  }
0x1: {  	s0 =	srdreg.scid  }
0x2: {  	s1 =	sshll.u32 s0, $0x4  }
0x3: {  	s4 =	rddreg [dreg:$0x0];
	s0 =	stileid.u32;
	s1 =	sand.u32 $0x10, s1  }
0x4: {  	s2 =	rddreg [dreg:$0x1];
	s7 =	simm.s32 $0x1;
	s1 =	sor.u32 s0, s1  }
0x5: {  	s8 =	simm.s32 $0x2;
	s11 =	simm.s32 $0x0;
	s3 =	sshll.u32 s1, $0x7  }
0x6: {  	s10 =	simm.s32 $0x0;
	s4 =	sadd.s32 $0x600, s4;
	s6 =	ssub.s32 $0xC4000, s3  }
.Ltmp0:
0x7: {  	s1 =	rddreg [dreg:$0x2];
	s5 =	sand.u32 $0xF80, s6;
	(pc) =	sbr.rel .LBB1_1-.Ltmp0, $4  }
0x8: {  	_ =	strace $0x80000047;
	s9 =	smov.u32 s3;
	p0 =	sne.s32 s5, $0x0  }
0x9: {  	s6 =	sshrl.u32 s6, $0xC;
	s5 =	simm.s32 $0x1;
	s7 =	simm.s32 @!p0 $0x0  }
0xa: {  	[sflag:s5] =	ssyncpa.u1 $0x0;
	p0 =	por $0x0, $0x0;
	s6 =	sadd.s32 s7, s6  }
0xb: {  	[sflag:s8] =	ssyncpa.u1 $0x0;
	s8 =	simm.s32 $0x620000;
	s7 =	sadd.s32 $0x1, s6  }
.LBB1_4:
0xc: {  	s14 =	sshll.u32 s11, $0x3  }
0xd: {  	s30 =	sand.u32 $0x7F, s11;
	s15 =	sand.u32 $0xFFFFFC00, s14  }
0xe: {  	s11 =	sor.u32 s30, s15  }
0xf: {  	s15 =	smulhi.u32 $0x5397829D, s11  }
0x10: {  	s14 =	smulhi.u32 $0x5397829D, s14  }
0x11: {  	s15 =	sshrl.u32 s15, $0x12  }
0x12: {  	s14 =	sshrl.u32 s14, $0x12;
	s15 =	smul.u32 $0xC4000, s15  }
0x13: {  	s14 =	sand.u32 $0x1F, s14  }
0x14: {  	s14 =	smul.u32 $0x18800, s14;
	s11 =	ssub.s32 s11, s15  }
0x15: {  	s15 =	sand.u32 $0x7, s11  }
0x16: {  	s14 =	sadd.s32 s2, s14;
	s11 =	sshrl.u32 s11, $0x3;
	s15 =	sshll.u32 s15, $0x12  }
0x17: {  	[tilespmem:s13+$0x0 ss:$0x81] =	vst.msk $0xffff, v0;
	s11 =	sadd.s32 s11, s14;
	s31 =	sor.u32 $0x400, s15  }
0x18: {  	[hbm4b:s11+s31] =	stream.strided.scatter [tilespmem:s12], [sflag:$0x2], $0x1000, s8, s31, $0x20;
	[tilespmem:$0x4040] =	vst v63  }
.LBB1_5:
0x19: {  	s13 =	sadd.s32 $0x1000, s9  }
0x1a: {  	p2 =	sgt.s32 s13, $0xC3FFF  }
0x1b: {  	s13 =	smov.u32 @p2 s3;
	p2 =	sne.s32 s10, s7  }
.Ltmp1:
0x1c: {  	p1 =	slt.u32 s10, $0x2;
	(pc) =	sbr.rel @!p2 .LBB1_6-.Ltmp1, $4  }
0x1d: {  	s12 =	simm.s32 @!p1 $0x2  }
0x1e: {  	s14 =	sadd.s32 $0x1, s10;
	_ =	swait.ge @!p1 [sflag:s12], $0x1000  }
0x1f: {  	s11 =	smov.u32 s9;
	p0 =	por !p0, !p0;
	[sflag:s12] =	ssyncset.done @!p1 $0x0  }
0x20: {  	s10 =	smov.u32 s14;
	s9 =	smov.u32 s13;
	[sflag:s12] =	ssyncadd.s32 @!p1 $0xFFFFF000  }
.LBB1_1:
0x21: {  	p1 =	sge.u32 s10, s6  }
0x22: {  	s12 =	sand.u32 @!p1 $0x1FFFFFF, s9  }
0x23: {  	s13 =	smulhi.u32 @!p1 $0x14E5E0B, s12;
	_ =	sdelay $0x1  }
0x24: {  	s13 =	sshrl.u32 @!p1 s13, $0xC  }
0x25: {  	s13 =	smul.u32 @!p1 $0xC4000, s13;
	_ =	sdelay $0x1  }
0x26: {  	s31 =	sadd.s32 $0xFFFFFFFF, s10;
	s14 =	sxor.u32 @!p1 $0xFFFFFFFF, s10;
	s12 =	ssub.s32 @!p1 s12, s13  }
0x27: {  	s15 =	simm.s32 @!p1 $0x80;
	s14 =	sshll.u32 @!p1 s14, $0xC;
	s12 =	sshll.u32 @!p1 s12, $0x4  }
0x28: {  	s13 =	sand.u32 @!p1 $0x1000, s14;
	s14 =	simm.s32 @!p1 $0x20;
	s12 =	sadd.s32 @!p1 s4, s12  }
0x29: {  	[tilespmem:s13], [sflag:$0x1] =	stream.strided.gather @!p1 [hbm4b:s12+s14], $0x1000, s15, s14, $0x38;
	[tilespmem:$0x4040] =	vst v63  }
0x2a: {  	p1 =	sge.u32 s31, s6  }
.Ltmp2:
0x2b: {  	_ = 	snop;
	(pc) =	sbr.rel @p1 .LBB1_5-.Ltmp2, $1  }
0x2c: {  	_ =	sdelay $0x3  }
0x2d: {  	s12 =	simm.s32 $0x1  }
0x2e: {  	_ =	swait.ge [sflag:s5], $0x1000;
	s12 =	simm.s32 @!p0 $0x0  }
0x2f: {  	[sflag:s5] =	ssyncset.done $0x0;
	s13 =	sshll.u32 s12, $0xC  }
0x30: {  	[sflag:s5] =	ssyncadd.s32 $0xFFFFF000;
	s16 =	sor.u32 $0x10, s13  }
0x31: {  	s12 =	smul.u32 $0x4080, s12;
	v1 =	vld [tilespmem:s16+$0x0]  }
0x32: {  	s30 =	sand.u32 $0x1, s10;
	v0 =	vld [tilespmem:s16+$0xFFFFFFF0]  }
0x33: {  	s13 =	smul.u32 $0x4080, s30;
	s12 =	sshrl.u32 s12, $0x2  }
0x34: {  	s14 =	sor.u32 $0x2000, s12  }
0x35: {  	s31 =	sshrl.u32 s13, $0x2;
	s13 =	sadd.s32 $0x0, s14  }
0x36: {  	s15 =	simm.s32 $0x4;
	s16 =	sadd.s32 $0x20, s16;
	s12 =	sor.u32 $0x2000, s31;
	[tilespmem:s13+$0x810 ss:$0x81] =	vst.msk $0xffff, v1  }
.LBB1_3:
0x37: {  	v1 =	vld [tilespmem:s16+$0x0];
	p1 =	sne.s32 s15, $0x1FC;
	[tilespmem:s13+$0x0 ss:$0x81] =	vst.msk $0xffff, v0;
	s13 =	smov.u32 s15;
	s15 =	sadd.s32 $0x4, s15  }
.Ltmp3:
0x38: {  	v0 =	vld [tilespmem:s16+$0xFFFFFFF0];
	(pc) =	sbr.rel @p1 .LBB1_3-.Ltmp3, $4  }
0x39: {  	_ = 	snop  }
0x3a: {  	s13 =	sshra.s32 s13, $0x2  }
0x3b: {  	s13 =	sadd.s32 s13, s14  }
0x3c: {  	s16 =	sadd.s32 $0x20, s16;
	[tilespmem:s13+$0x810 ss:$0x81] =	vst.msk $0xffff, v1  }
.Ltmp4:
0x3d: {  	_ = 	snop;
	(pc) =	sbr.rel .LBB1_4-.Ltmp4, $1  }
0x3e: {  	_ =	sdelay $0x3  }
.LBB1_6:
0x3f: {  	_ =	sfence.sel $0x180000  }
0x40: {  	s2 =	simm.s32 $0x1;
	[bflag:$0x0] =	sbarrier.arrive $0xFFFF  }
0x41: {  	s31 =	simm.s32 $0x2;
	[sflag:s2] =	ssyncpa.u1 $0x1  }
0x42: {  	[sflag:s31] =	ssyncpa.u1 $0x1  }
0x43: {  	p0 =	sne.s32 s0, $0x0;
	_ =	strace $0x90000047  }
0x44: {  	s0 =	sadd.s32 @!p0 $0x100000, s1;
	[bflag:$0x2] =	sbarrier.arrive $0xFFFF  }
0x45: {  	[sflag:s0] =	ssyncadd.tile.s32 @!p0 $0x1;
	_ =	shalt  }
.Lfunc_end1:
_tile_overlayer_lowered:
.L_overlay_start_2:
0x46: {  	(tag) =	ssettag $0x2  }
0x47: {  	s0 =	rddreg [dreg:$0x0];
	s2 =	stileid.u32  }
0x48: {  	s1 =	rddreg [dreg:$0x1];
	p0 =	sne.s32 s2, $0x0  }
0x49: {  	s3 =	rddreg [dreg:$0x2];
	[bflag:$0x3] =	sbarrier.arrive $0xFFFF;
	s2 =	simm.s32 @!p0 $0x1C01  }
0x4a: {  	[timem:s3], [sflag:s2] =	dma.local @!p0 [hbm:s0], s1  }
0x4b: {  	s0 =	simm.s32 @!p0 $0x1  }
0x4c: {  	_ =	swait.ge @!p0 [sflag:s0], s1  }
0x4d: {  	s1 =	ssub.s32 @!p0 $0x0, s1;
	[sflag:s0] =	ssyncset.done @!p0 $0x0  }
0x4e: {  	[sflag:s0] =	ssyncadd.s32 @!p0 s1  }
0x4f: {  	[bflag:$0x3] =	sbarrier.arrive $0xFFFF  }
0x50: {  	_ =	shalt  }

</sc_bundles>
